<compile_context>
chip_gen: v7x
topology: tpu7x:2x2x1
jax: 0.10.2.dev20260603
libtpu: 0.0.44.dev20260713+nightly
codegen_flags: <defaults>
</compile_context>

<pallas_src>
import functools

import jax
import jax.numpy as jnp
from jax import lax
from jax.experimental import pallas as pl
from jax.experimental.pallas import tpu as pltpu
from jax.experimental.pallas import tpu_sc as plsc

F = 26
V = 100000
D = 32
B = 16384
H1 = 512
H2 = 256

NW = 32
NPAIR = F * (D + 1)
PPW = -(-NPAIR // NW)
GU = 4


def _sc_pool_fn():
    mesh = plsc.VectorSubcoreMesh(core_axis_name="c", subcore_axis_name="s")

    @functools.partial(
        pl.kernel,
        mesh=mesh,
        compiler_params=pltpu.CompilerParams(use_tc_tiling_on_sc=True,
                                             needs_layout_passes=False),
        out_type=jax.ShapeDtypeStruct((NW, 32), jnp.float32),
        scratch_types=[
            pltpu.VMEM((B,), jnp.int32),
            pltpu.VMEM((V,), jnp.float32),
            pltpu.VMEM((32,), jnp.float32),
        ],
    )
    def sc_kernel(embT_hbm, lin_hbm, xT_hbm, out_hbm, x_v, row_v, out_v):
        wid = lax.axis_index("s") * 2 + lax.axis_index("c")
        out_v[pl.ds(0, 16)] = jnp.zeros((16,), jnp.float32)
        out_v[pl.ds(16, 16)] = jnp.zeros((16,), jnp.float32)

        def pair_body(j, prev_f):
            p = wid * PPW + j
            valid = p < NPAIR
            pc = jnp.where(valid, p, 0)
            f = pc // (D + 1)
            k = pc % (D + 1)

            @pl.when(valid)
            def _():
                @pl.when(f != prev_f)
                def _():
                    pltpu.sync_copy(xT_hbm.at[f], x_v)

                @pl.when(k < D)
                def _():
                    pltpu.sync_copy(embT_hbm.at[f, k], row_v)

                @pl.when(k == D)
                def _():
                    pltpu.sync_copy(lin_hbm.at[f, 0], row_v)

                def gbody(i, acc):
                    for u in range(GU):
                        idxs = x_v[pl.ds(i * (16 * GU) + u * 16, 16)]
                        acc = acc + plsc.load_gather(row_v, [idxs])
                    return acc

                acc = lax.fori_loop(0, B // (16 * GU), gbody,
                                    jnp.zeros((16,), jnp.float32))
                s = jnp.sum(acc)
                plsc.store_scatter(
                    out_v, [jnp.full((16,), j, jnp.int32)],
                    jnp.full((16,), s, jnp.float32),
                    mask=lax.iota(jnp.int32, 16) == 0)

            return jnp.where(valid, f, prev_f)

        lax.fori_loop(0, PPW, pair_body, jnp.int32(-1))
        pltpu.sync_copy(out_v, out_hbm.at[wid])

    return sc_kernel


def _tc_head(s_flat, s3, lin_s, biasr, W1, g1r, be1r, W2, g2r, be2r,
             w3r, b3r):
    def tc_kernel(pf_ref, p3_ref, pl_ref, bias_ref, W1_ref, g1_ref, be1_ref,
                  W2_ref, g2_ref, be2_ref, w3_ref, b3_ref, out_ref):
        Bf = jnp.float32(B)
        s_row = pf_ref[...]
        s3v = p3_ref[...]
        s_lin = jnp.sum(pl_ref[...]).reshape(1, 1)
        colsum = jnp.sum(s3v, axis=0, keepdims=True)
        inner = 0.5 * (jnp.sum(colsum * colsum).reshape(1, 1)
                       - jnp.sum(s3v * s3v).reshape(1, 1))

        d1 = jnp.dot(s_row, W1_ref[...],
                     preferred_element_type=jnp.float32)
        inv1 = lax.rsqrt(d1 * d1 * ((Bf - 1.0) / (Bf * Bf)) + 1e-5)
        a_a = jnp.maximum((-d1 / Bf) * inv1 * g1_ref[...] + be1_ref[...], 0.0)
        a_b = jnp.maximum((d1 * ((Bf - 1.0) / Bf)) * inv1 * g1_ref[...]
                          + be1_ref[...], 0.0)
        a = jnp.concatenate([a_a, a_b], axis=0)

        h2 = jnp.dot(a, W2_ref[...],
                     preferred_element_type=jnp.float32)
        d2 = h2[1:2, :] - h2[0:1, :]
        inv2 = lax.rsqrt(d2 * d2 * ((Bf - 1.0) / (Bf * Bf)) + 1e-5)
        r_a = jnp.maximum((-d2 / Bf) * inv2 * g2_ref[...] + be2_ref[...], 0.0)
        r_b = jnp.maximum((d2 * ((Bf - 1.0) / Bf)) * inv2 * g2_ref[...]
                          + be2_ref[...], 0.0)
        r = jnp.concatenate([r_a, r_b], axis=0)

        m = jnp.sum(r * w3_ref[...], axis=1, keepdims=True) + b3_ref[...]
        la = bias_ref[...] + m[0:1, :]
        lb = bias_ref[...] + s_lin + inner + m[1:2, :]
        sa = 1.0 / (1.0 + jnp.exp(-la))
        sb = 1.0 / (1.0 + jnp.exp(-lb))
        lane = lax.broadcasted_iota(jnp.int32, (1, B), 1)
        out_ref[...] = jnp.where(lane == B - 1, sb, sa)

    return pl.pallas_call(
        tc_kernel,
        out_shape=jax.ShapeDtypeStruct((1, B), jnp.float32),
    )(s_flat, s3, lin_s, biasr, W1, g1r, be1r, W2, g2r, be2r, w3r, b3r)


def kernel(x, emb_table, lin_table, bias, W1, b1, g1, be1, W2, b2, g2, be2,
           W3, b3):
    del b1, b2
    embT = jnp.transpose(emb_table, (0, 2, 1))
    lin3 = jnp.transpose(lin_table, (0, 2, 1))
    xT = x.astype(jnp.int32).T

    out = _sc_pool_fn()(embT, lin3, xT)
    vals = out[:, :PPW].reshape(NW * PPW)[:NPAIR].reshape(F, D + 1)
    s3 = vals[:, :D]
    lin_s = vals[:, D].reshape(1, F)
    out2 = _tc_head(
        s3.reshape(1, F * D), s3, lin_s,
        bias.reshape(1, 1), W1, g1.reshape(1, H1), be1.reshape(1, H1),
        W2, g2.reshape(1, H2), be2.reshape(1, H2),
        W3.reshape(1, H2), b3.reshape(1, 1))
    return out2.reshape(B)

# --- scband reference (transcript-rebuilt; emitter-appended) ---
"""Pipeline reference for scband-deep-fm-56023553409246 (READ-ONLY COPY).

The authoritative reference and input builder live on the scoring server;
editing this copy changes nothing except your own understanding.
"""

import jax, jax.numpy as jnp
import numpy as np

F = 26
V = 100000
D = 32
B = 16384
H1 = 512
H2 = 256


def _xavier(key, shape):
    fan_in, fan_out = shape[0], shape[1]
    lim = (6.0 / (fan_in + fan_out)) ** 0.5
    return jax.random.uniform(key, shape, jnp.float32, -lim, lim)


def setup_inputs(seed: int = 0) -> dict:
    key = jax.random.key(seed)
    ks = jax.random.split(key, 8)
    x = jax.random.randint(ks[0], (B, F), 0, V, dtype=jnp.int64 if jax.config.jax_enable_x64 else jnp.int32)
    lim_e = (6.0 / (V + D)) ** 0.5
    emb_table = jax.random.uniform(ks[1], (F, V, D), jnp.float32, -lim_e, lim_e)
    lim_l = (6.0 / (V + 1)) ** 0.5
    lin_table = jax.random.uniform(ks[2], (F, V, 1), jnp.float32, -lim_l, lim_l)
    bias = jnp.zeros((1,), jnp.float32)
    W1 = _xavier(ks[3], (F * D, H1)); b1 = jnp.zeros((H1,), jnp.float32)
    g1 = jnp.ones((H1,), jnp.float32); be1 = jnp.zeros((H1,), jnp.float32)
    W2 = _xavier(ks[4], (H1, H2)); b2 = jnp.zeros((H2,), jnp.float32)
    g2 = jnp.ones((H2,), jnp.float32); be2 = jnp.zeros((H2,), jnp.float32)
    W3 = _xavier(ks[5], (H2, 1)); b3 = jnp.zeros((1,), jnp.float32)
    return {"x": x, "emb_table": emb_table, "lin_table": lin_table, "bias": bias,
            "W1": W1, "b1": b1, "g1": g1, "be1": be1,
            "W2": W2, "b2": b2, "g2": g2, "be2": be2,
            "W3": W3, "b3": b3}


def _forward(x, emb_table, lin_table, bias, W1, b1, g1, be1, W2, b2, g2, be2, W3, b3):
    Bn, Fn = x.shape
    fidx = jnp.arange(Fn)[None, :]
    # Embedding gather per field: [B, F, D]
    gathered = emb_table[fidx, x]
    # Faithful EmbeddingBag(mode='sum') with offsets = zeros_like(indices):
    # bags 0..B-2 are empty, last bag sums all B gathered rows.
    embeddings = jnp.zeros_like(gathered).at[Bn - 1].set(gathered.sum(axis=0))
    lin_g = lin_table[fidx, x]
    l_ly = jnp.zeros_like(lin_g).at[Bn - 1].set(lin_g.sum(axis=0))
    linear_part = l_ly.sum(axis=1) + bias
    square_of_sum = jnp.sum(embeddings, axis=1) ** 2
    sum_of_square = jnp.sum(embeddings ** 2, axis=1)
    inner_part = 0.5 * jnp.sum(square_of_sum - sum_of_square, axis=1, keepdims=True)
    fm_part = linear_part + inner_part
    z = embeddings.reshape(Bn, Fn * emb_table.shape[-1])
    h = z @ W1 + b1
    mu = h.mean(axis=0); var = h.var(axis=0)
    h = (h - mu) / jnp.sqrt(var + 1e-5) * g1 + be1
    h = jax.nn.relu(h)
    h = h @ W2 + b2
    mu = h.mean(axis=0); var = h.var(axis=0)
    h = (h - mu) / jnp.sqrt(var + 1e-5) * g2 + be2
    h = jax.nn.relu(h)
    mlp_part = h @ W3 + b3
    out = fm_part + mlp_part
    return jax.nn.sigmoid(out[:, 0])


def reference(x, emb_table, lin_table, bias, W1, b1, g1, be1, W2, b2, g2, be2, W3, b3):
    return _forward(x, emb_table, lin_table, bias, W1, b1, g1, be1, W2, b2, g2, be2, W3, b3)

if __name__ == "__main__":
    import jax
    _d = setup_inputs()
    print(jax.jit(kernel)(*tuple(_d.values())))

</pallas_src>

<mosaic_0001>
#map = affine_map<(d0, d1) -> (0, 0, 0)>
#map1 = affine_map<(d0, d1) -> (0, 0)>
module attributes {stable_mosaic.version = 14 : i64} {
  func.func @sc_kernel(%arg0: i32, %arg1: i32, %arg2: memref<26x32x100000xf32, #tpu.memory_space<hbm>>, %arg3: memref<26x1x100000xf32, #tpu.memory_space<hbm>>, %arg4: memref<26x16384xi32, #tpu.memory_space<hbm>>, %arg5: memref<32x32xf32, #tpu.memory_space<hbm>>, %arg6: memref<16384xi32, #tpu.memory_space<vmem>>, %arg7: memref<100000xf32, #tpu.memory_space<vmem>>, %arg8: memref<32xf32, #tpu.memory_space<vmem>>) attributes {dimension_semantics = [#tpu.dimension_semantics<core_parallel>, #tpu.dimension_semantics<subcore_parallel>], iteration_bounds = array<i64: 2, 16>, scalar_prefetch = 0 : i64, scratch_operands = 3 : i64, tpu.core_type = #tpu.core_type<sc_vector_subcore>, window_params = [{transform_indices = #map}, {transform_indices = #map}, {transform_indices = #map1}, {transform_indices = #map1}]} {
    %mul3A = arith.constant 2 : i32
    %mul3A_0 = arith.muli %arg1, %mul3A : i32
    %add3A = arith.addi %mul3A_0, %arg0 : i32
    %broadcast_in_dim3A = arith.constant 0.000000e+00 : f32
    %broadcast_in_dim3A_1 = vector.broadcast %broadcast_in_dim3A : f32 to vector<16xf32>
    %swap3A = arith.constant 0 : index
    %swap3A_2 = tpu.vector_load %arg8[%swap3A] {strides = array<i32>} : memref<32xf32, #tpu.memory_space<vmem>>, vector<16xf32>,
    tpu.vector_store %arg8[%swap3A], %broadcast_in_dim3A_1 {strides = array<i32>} : memref<32xf32, #tpu.memory_space<vmem>>, vector<16xf32>,
    %broadcast_in_dim3A_3 = arith.constant 0.000000e+00 : f32
    %broadcast_in_dim3A_4 = vector.broadcast %broadcast_in_dim3A_3 : f32 to vector<16xf32>
    %swap3A_5 = arith.constant 16 : index
    %swap3A_6 = tpu.vector_load %arg8[%swap3A_5] {strides = array<i32>} : memref<32xf32, #tpu.memory_space<vmem>>, vector<16xf32>,
    tpu.vector_store %arg8[%swap3A_5], %broadcast_in_dim3A_4 {strides = array<i32>} : memref<32xf32, #tpu.memory_space<vmem>>, vector<16xf32>,
    %scan3A = arith.constant -1 : i32
    %scan3A_7 = arith.constant 0 : i32
    %scan3A_8 = arith.constant 27 : i32
    %scan3A_9 = arith.addi %scan3A_7, %scan3A_8 : i32
    %scan3A_10 = arith.constant 1 : i32
    %scan3A_11 = scf.for %scan3A_13 = %scan3A_7 to %scan3A_9 step %scan3A_10 iter_args(%scan3A_14 = %scan3A) -> (i32)  : i32 {
      %mul3A_15 = arith.constant 27 : i32
      %mul3A_16 = arith.muli %add3A, %mul3A_15 : i32
      %add3A_17 = arith.addi %mul3A_16, %scan3A_13 : i32
      %lt3A = arith.constant 858 : i32
      %lt3A_18 = arith.cmpi slt, %add3A_17, %lt3A : i32
      %jit3A = arith.constant 0 : i32
      %select_n3A = arith.select %lt3A_18, %add3A_17, %jit3A : i32
      %jit3A_19 = arith.constant 33 : i32
      %div3A = arith.divsi %select_n3A, %jit3A_19 : i32
      %sign3A = arith.constant 0 : i32
      %sign3A_20 = arith.cmpi sgt, %select_n3A, %sign3A : i32
      %sign3A_21 = arith.extui %sign3A_20 : i1 to i32
      %sign3A_22 = arith.constant 0 : i32
      %sign3A_23 = arith.cmpi slt, %select_n3A, %sign3A_22 : i32
      %sign3A_24 = arith.extui %sign3A_23 : i1 to i32
      %sign3A_25 = arith.subi %sign3A_21, %sign3A_24 : i32
      %sign3A_26 = arith.constant 0 : i32
      %sign3A_27 = arith.cmpi sgt, %jit3A_19, %sign3A_26 : i32
      %sign3A_28 = arith.extui %sign3A_27 : i1 to i32
      %sign3A_29 = arith.constant 0 : i32
      %sign3A_30 = arith.cmpi slt, %jit3A_19, %sign3A_29 : i32
      %sign3A_31 = arith.extui %sign3A_30 : i1 to i32
      %sign3A_32 = arith.subi %sign3A_28, %sign3A_31 : i32
      %ne3A = arith.cmpi ne, %sign3A_25, %sign3A_32 : i32
      %rem3A = arith.remsi %select_n3A, %jit3A_19 : i32
      %ne3A_33 = arith.constant 0 : i32
      %ne3A_34 = arith.cmpi ne, %rem3A, %ne3A_33 : i32
      %and3A = arith.andi %ne3A, %ne3A_34 : i1
      %sub3A = arith.constant 1 : i32
      %sub3A_35 = arith.subi %div3A, %sub3A : i32
      %select_n3A_36 = arith.select %and3A, %sub3A_35, %div3A : i32
      %jit3A_37 = arith.constant 33 : i32
      %eq3A = arith.constant 0 : i32
      %eq3A_38 = arith.cmpi eq, %jit3A_37, %eq3A : i32
      %jit3A_39 = arith.constant 1 : i32
      %select_n3A_40 = arith.select %eq3A_38, %jit3A_39, %jit3A_37 : i32
      %rem3A_41 = arith.remsi %select_n3A, %select_n3A_40 : i32
      %ne3A_42 = arith.constant 0 : i32
      %ne3A_43 = arith.cmpi ne, %rem3A_41, %ne3A_42 : i32
      %lt3A_44 = arith.constant 0 : i32
      %lt3A_45 = arith.cmpi slt, %rem3A_41, %lt3A_44 : i32
      %lt3A_46 = arith.constant 0 : i32
      %lt3A_47 = arith.cmpi slt, %select_n3A_40, %lt3A_46 : i32
      %ne3A_48 = arith.xori %lt3A_45, %lt3A_47 : i1
      %and3A_49 = arith.andi %ne3A_48, %ne3A_43 : i1
      %add3A_50 = arith.addi %rem3A_41, %select_n3A_40 : i32
      %select_n3A_51 = arith.select %and3A_49, %add3A_50, %rem3A_41 : i32
      %convert_element_type3A = arith.extui %lt3A_18 : i1 to i32
      %cond3A = arith.constant 0 : i32
      %cond3A_52 = arith.cmpi ne, %convert_element_type3A, %cond3A : i32
      scf.if %cond3A_52 {
        %ne3A_54 = arith.cmpi ne, %select_n3A_36, %scan3A_14 : i32
        %convert_element_type3A_55 = arith.extui %ne3A_54 : i1 to i32
        %cond3A_56 = arith.constant 0 : i32
        %cond3A_57 = arith.cmpi ne, %convert_element_type3A_55, %cond3A_56 : i32
        scf.if %cond3A_57 {
          "tpu.region"() ({
            %run_scoped3A = tpu.sem_alloc : memref<!tpu.dma_semaphore, #tpu.memory_space<semaphore_mem>>
            %dma_start3A = arith.constant 0 : i32
            %dma_start3A_84 = tpu.memref_slice %arg4[%select_n3A_36, %dma_start3A] : memref<26x16384xi32, #tpu.memory_space<hbm>> -> memref<1x16384xi32, #tpu.memory_space<hbm>>
            %dma_start3A_85 = tpu.memref_squeeze %dma_start3A_84 : memref<1x16384xi32, #tpu.memory_space<hbm>> -> memref<16384xi32, #tpu.memory_space<hbm>>
            %dma_start3A_86 = arith.constant 0 : i32
            %dma_start3A_87 = tpu.memref_slice %arg4[%select_n3A_36, %dma_start3A_86] : memref<26x16384xi32, #tpu.memory_space<hbm>> -> memref<1x16384xi32, #tpu.memory_space<hbm>>
            %dma_start3A_88 = tpu.memref_squeeze %dma_start3A_87 : memref<1x16384xi32, #tpu.memory_space<hbm>> -> memref<16384xi32, #tpu.memory_space<hbm>>
            tpu.enqueue_dma source(%dma_start3A_88 : memref<16384xi32, #tpu.memory_space<hbm>>) target(%arg6 : memref<16384xi32, #tpu.memory_space<vmem>>) target_semaphore(%run_scoped3A : memref<!tpu.dma_semaphore, #tpu.memory_space<semaphore_mem>>)
            %dma_wait3A = arith.constant 0 : i32
            %dma_wait3A_89 = tpu.memref_slice %arg4[%select_n3A_36, %dma_wait3A] : memref<26x16384xi32, #tpu.memory_space<hbm>> -> memref<1x16384xi32, #tpu.memory_space<hbm>>
            %dma_wait3A_90 = tpu.memref_squeeze %dma_wait3A_89 : memref<1x16384xi32, #tpu.memory_space<hbm>> -> memref<16384xi32, #tpu.memory_space<hbm>>
            %dma_wait3A_91 = arith.constant 0 : i32
            %dma_wait3A_92 = tpu.memref_slice %arg4[%select_n3A_36, %dma_wait3A_91] : memref<26x16384xi32, #tpu.memory_space<hbm>> -> memref<1x16384xi32, #tpu.memory_space<hbm>>
            %dma_wait3A_93 = tpu.memref_squeeze %dma_wait3A_92 : memref<1x16384xi32, #tpu.memory_space<hbm>> -> memref<16384xi32, #tpu.memory_space<hbm>>
            tpu.wait_dma2 semaphore(%run_scoped3A : memref<!tpu.dma_semaphore, #tpu.memory_space<semaphore_mem>>) src(%dma_wait3A_93 : memref<16384xi32, #tpu.memory_space<hbm>>) dst(%arg6 : memref<16384xi32, #tpu.memory_space<vmem>>)
            tpu.yield
          }) : () -> ()
        } else {
        }
        %lt3A_58 = arith.constant 32 : i32
        %lt3A_59 = arith.cmpi slt, %select_n3A_51, %lt3A_58 : i32
        %convert_element_type3A_60 = arith.extui %lt3A_59 : i1 to i32
        %cond3A_61 = arith.constant 0 : i32
        %cond3A_62 = arith.cmpi ne, %convert_element_type3A_60, %cond3A_61 : i32
        scf.if %cond3A_62 {
          "tpu.region"() ({
            %run_scoped3A = tpu.sem_alloc : memref<!tpu.dma_semaphore, #tpu.memory_space<semaphore_mem>>
            %dma_start3A = arith.constant 0 : i32
            %dma_start3A_84 = tpu.memref_slice %arg2[%select_n3A_36, %select_n3A_51, %dma_start3A] : memref<26x32x100000xf32, #tpu.memory_space<hbm>> -> memref<1x1x100000xf32, #tpu.memory_space<hbm>>
            %dma_start3A_85 = tpu.memref_squeeze %dma_start3A_84 : memref<1x1x100000xf32, #tpu.memory_space<hbm>> -> memref<100000xf32, #tpu.memory_space<hbm>>
            %dma_start3A_86 = arith.constant 0 : i32
            %dma_start3A_87 = tpu.memref_slice %arg2[%select_n3A_36, %select_n3A_51, %dma_start3A_86] : memref<26x32x100000xf32, #tpu.memory_space<hbm>> -> memref<1x1x100000xf32, #tpu.memory_space<hbm>>
            %dma_start3A_88 = tpu.memref_squeeze %dma_start3A_87 : memref<1x1x100000xf32, #tpu.memory_space<hbm>> -> memref<100000xf32, #tpu.memory_space<hbm>>
            tpu.enqueue_dma source(%dma_start3A_88 : memref<100000xf32, #tpu.memory_space<hbm>>) target(%arg7 : memref<100000xf32, #tpu.memory_space<vmem>>) target_semaphore(%run_scoped3A : memref<!tpu.dma_semaphore, #tpu.memory_space<semaphore_mem>>)
            %dma_wait3A = arith.constant 0 : i32
            %dma_wait3A_89 = tpu.memref_slice %arg2[%select_n3A_36, %select_n3A_51, %dma_wait3A] : memref<26x32x100000xf32, #tpu.memory_space<hbm>> -> memref<1x1x100000xf32, #tpu.memory_space<hbm>>
            %dma_wait3A_90 = tpu.memref_squeeze %dma_wait3A_89 : memref<1x1x100000xf32, #tpu.memory_space<hbm>> -> memref<100000xf32, #tpu.memory_space<hbm>>
            %dma_wait3A_91 = arith.constant 0 : i32
            %dma_wait3A_92 = tpu.memref_slice %arg2[%select_n3A_36, %select_n3A_51, %dma_wait3A_91] : memref<26x32x100000xf32, #tpu.memory_space<hbm>> -> memref<1x1x100000xf32, #tpu.memory_space<hbm>>
            %dma_wait3A_93 = tpu.memref_squeeze %dma_wait3A_92 : memref<1x1x100000xf32, #tpu.memory_space<hbm>> -> memref<100000xf32, #tpu.memory_space<hbm>>
            tpu.wait_dma2 semaphore(%run_scoped3A : memref<!tpu.dma_semaphore, #tpu.memory_space<semaphore_mem>>) src(%dma_wait3A_93 : memref<100000xf32, #tpu.memory_space<hbm>>) dst(%arg7 : memref<100000xf32, #tpu.memory_space<vmem>>)
            tpu.yield
          }) : () -> ()
        } else {
        }
        %eq3A_63 = arith.constant 32 : i32
        %eq3A_64 = arith.cmpi eq, %select_n3A_51, %eq3A_63 : i32
        %convert_element_type3A_65 = arith.extui %eq3A_64 : i1 to i32
        %cond3A_66 = arith.constant 0 : i32
        %cond3A_67 = arith.cmpi ne, %convert_element_type3A_65, %cond3A_66 : i32
        scf.if %cond3A_67 {
          %run_scoped3A = arith.constant 0 : i32
          "tpu.region"() ({
            %run_scoped3A_84 = tpu.sem_alloc : memref<!tpu.dma_semaphore, #tpu.memory_space<semaphore_mem>>
            %dma_start3A = arith.constant 0 : i32
            %dma_start3A_85 = tpu.memref_slice %arg3[%select_n3A_36, %run_scoped3A, %dma_start3A] : memref<26x1x100000xf32, #tpu.memory_space<hbm>> -> memref<1x1x100000xf32, #tpu.memory_space<hbm>>
            %dma_start3A_86 = tpu.memref_squeeze %dma_start3A_85 : memref<1x1x100000xf32, #tpu.memory_space<hbm>> -> memref<100000xf32, #tpu.memory_space<hbm>>
            %dma_start3A_87 = arith.constant 0 : i32
            %dma_start3A_88 = tpu.memref_slice %arg3[%select_n3A_36, %run_scoped3A, %dma_start3A_87] : memref<26x1x100000xf32, #tpu.memory_space<hbm>> -> memref<1x1x100000xf32, #tpu.memory_space<hbm>>
            %dma_start3A_89 = tpu.memref_squeeze %dma_start3A_88 : memref<1x1x100000xf32, #tpu.memory_space<hbm>> -> memref<100000xf32, #tpu.memory_space<hbm>>
            tpu.enqueue_dma source(%dma_start3A_89 : memref<100000xf32, #tpu.memory_space<hbm>>) target(%arg7 : memref<100000xf32, #tpu.memory_space<vmem>>) target_semaphore(%run_scoped3A_84 : memref<!tpu.dma_semaphore, #tpu.memory_space<semaphore_mem>>)
            %dma_wait3A = arith.constant 0 : i32
            %dma_wait3A_90 = tpu.memref_slice %arg3[%select_n3A_36, %run_scoped3A, %dma_wait3A] : memref<26x1x100000xf32, #tpu.memory_space<hbm>> -> memref<1x1x100000xf32, #tpu.memory_space<hbm>>
            %dma_wait3A_91 = tpu.memref_squeeze %dma_wait3A_90 : memref<1x1x100000xf32, #tpu.memory_space<hbm>> -> memref<100000xf32, #tpu.memory_space<hbm>>
            %dma_wait3A_92 = arith.constant 0 : i32
            %dma_wait3A_93 = tpu.memref_slice %arg3[%select_n3A_36, %run_scoped3A, %dma_wait3A_92] : memref<26x1x100000xf32, #tpu.memory_space<hbm>> -> memref<1x1x100000xf32, #tpu.memory_space<hbm>>
            %dma_wait3A_94 = tpu.memref_squeeze %dma_wait3A_93 : memref<1x1x100000xf32, #tpu.memory_space<hbm>> -> memref<100000xf32, #tpu.memory_space<hbm>>
            tpu.wait_dma2 semaphore(%run_scoped3A_84 : memref<!tpu.dma_semaphore, #tpu.memory_space<semaphore_mem>>) src(%dma_wait3A_94 : memref<100000xf32, #tpu.memory_space<hbm>>) dst(%arg7 : memref<100000xf32, #tpu.memory_space<vmem>>)
            tpu.yield
          }) : () -> ()
        } else {
        }
        %broadcast_in_dim3A_68 = arith.constant 0.000000e+00 : f32
        %broadcast_in_dim3A_69 = vector.broadcast %broadcast_in_dim3A_68 : f32 to vector<16xf32>
        %scan3A_70 = arith.constant 0 : i32
        %scan3A_71 = arith.constant 256 : i32
        %scan3A_72 = arith.addi %scan3A_70, %scan3A_71 : i32
        %scan3A_73 = arith.constant 1 : i32
        %scan3A_74 = scf.for %scan3A_84 = %scan3A_70 to %scan3A_72 step %scan3A_73 iter_args(%scan3A_85 = %broadcast_in_dim3A_69) -> (vector<16xf32>)  : i32 {
          %mul3A_86 = arith.constant 64 : i32
          %mul3A_87 = arith.muli %scan3A_84, %mul3A_86 : i32
          %add3A_88 = arith.constant 0 : i32
          %add3A_89 = arith.addi %mul3A_87, %add3A_88 : i32
          %get3A = arith.index_cast %add3A_89 : i32 to index
          %get3A_90 = tpu.vector_load %arg6[%get3A] {strides = array<i32>} : memref<16384xi32, #tpu.memory_space<vmem>>, vector<16xi32>,
          %gather3A = tpu.vector_load_idx %arg7[%get3A_90] : memref<100000xf32, #tpu.memory_space<vmem>>[vector<16xi32>], vector<16xf32>,
          %add3A_91 = arith.addf %scan3A_85, %gather3A : vector<16xf32>
          %mul3A_92 = arith.constant 64 : i32
          %mul3A_93 = arith.muli %scan3A_84, %mul3A_92 : i32
          %add3A_94 = arith.constant 16 : i32
          %add3A_95 = arith.addi %mul3A_93, %add3A_94 : i32
          %get3A_96 = arith.index_cast %add3A_95 : i32 to index
          %get3A_97 = tpu.vector_load %arg6[%get3A_96] {strides = array<i32>} : memref<16384xi32, #tpu.memory_space<vmem>>, vector<16xi32>,
          %gather3A_98 = tpu.vector_load_idx %arg7[%get3A_97] : memref<100000xf32, #tpu.memory_space<vmem>>[vector<16xi32>], vector<16xf32>,
          %add3A_99 = arith.addf %add3A_91, %gather3A_98 : vector<16xf32>
          %mul3A_100 = arith.constant 64 : i32
          %mul3A_101 = arith.muli %scan3A_84, %mul3A_100 : i32
          %add3A_102 = arith.constant 32 : i32
          %add3A_103 = arith.addi %mul3A_101, %add3A_102 : i32
          %get3A_104 = arith.index_cast %add3A_103 : i32 to index
          %get3A_105 = tpu.vector_load %arg6[%get3A_104] {strides = array<i32>} : memref<16384xi32, #tpu.memory_space<vmem>>, vector<16xi32>,
          %gather3A_106 = tpu.vector_load_idx %arg7[%get3A_105] : memref<100000xf32, #tpu.memory_space<vmem>>[vector<16xi32>], vector<16xf32>,
          %add3A_107 = arith.addf %add3A_99, %gather3A_106 : vector<16xf32>
          %mul3A_108 = arith.constant 64 : i32
          %mul3A_109 = arith.muli %scan3A_84, %mul3A_108 : i32
          %add3A_110 = arith.constant 48 : i32
          %add3A_111 = arith.addi %mul3A_109, %add3A_110 : i32
          %get3A_112 = arith.index_cast %add3A_111 : i32 to index
          %get3A_113 = tpu.vector_load %arg6[%get3A_112] {strides = array<i32>} : memref<16384xi32, #tpu.memory_space<vmem>>, vector<16xi32>,
          %gather3A_114 = tpu.vector_load_idx %arg7[%get3A_113] : memref<100000xf32, #tpu.memory_space<vmem>>[vector<16xi32>], vector<16xf32>,
          %add3A_115 = arith.addf %add3A_107, %gather3A_114 : vector<16xf32>
          scf.yield %add3A_115 : vector<16xf32>
        }
        %scan3A_75 = arith.constant 256 : i32
        %reduce_sum3A = arith.constant true
        %reduce_sum3A_76 = vector.broadcast %reduce_sum3A : i1 to vector<16xi1>
        %reduce_sum3A_77 = tpu.scan <sum>, %scan3A_74 masked %reduce_sum3A_76 : vector<16xf32>, vector<16xi1> -> vector<16xf32>
        %reduce_sum3A_78 = vector.extract %reduce_sum3A_77[15] : f32 from vector<16xf32>
        %broadcast_in_dim3A_79 = vector.broadcast %scan3A_13 : i32 to vector<16xi32>
        %broadcast_in_dim3A_80 = vector.broadcast %reduce_sum3A_78 : f32 to vector<16xf32>
        %iota3A = tpu.iota {dimensions = array<i32: 0>} : vector<16xi32>
        %eq3A_81 = arith.constant 0 : i32
        %eq3A_82 = vector.broadcast %eq3A_81 : i32 to vector<16xi32>
        %eq3A_83 = arith.cmpi eq, %iota3A, %eq3A_82 : vector<16xi32>
        tpu.vector_store_idx %arg8[%broadcast_in_dim3A_79], %broadcast_in_dim3A_80 masked %eq3A_83 : memref<32xf32, #tpu.memory_space<vmem>>[vector<16xi32>], vector<16xf32>, vector<16xi1>
      } else {
      }
      %select_n3A_53 = arith.select %lt3A_18, %select_n3A_36, %scan3A_14 : i32
      scf.yield %select_n3A_53 : i32
    }
    %scan3A_12 = arith.constant 27 : i32
    "tpu.region"() ({
      %run_scoped3A = tpu.sem_alloc : memref<!tpu.dma_semaphore, #tpu.memory_space<semaphore_mem>>
      %dma_start3A = arith.constant 0 : i32
      %dma_start3A_13 = tpu.memref_slice %arg5[%add3A, %dma_start3A] : memref<32x32xf32, #tpu.memory_space<hbm>> -> memref<1x32xf32, #tpu.memory_space<hbm>>
      %dma_start3A_14 = tpu.memref_squeeze %dma_start3A_13 : memref<1x32xf32, #tpu.memory_space<hbm>> -> memref<32xf32, #tpu.memory_space<hbm>>
      %dma_start3A_15 = arith.constant 0 : i32
      %dma_start3A_16 = tpu.memref_slice %arg5[%add3A, %dma_start3A_15] : memref<32x32xf32, #tpu.memory_space<hbm>> -> memref<1x32xf32, #tpu.memory_space<hbm>>
      %dma_start3A_17 = tpu.memref_squeeze %dma_start3A_16 : memref<1x32xf32, #tpu.memory_space<hbm>> -> memref<32xf32, #tpu.memory_space<hbm>>
      tpu.enqueue_dma source(%arg8 : memref<32xf32, #tpu.memory_space<vmem>>) target(%dma_start3A_17 : memref<32xf32, #tpu.memory_space<hbm>>) target_semaphore(%run_scoped3A : memref<!tpu.dma_semaphore, #tpu.memory_space<semaphore_mem>>)
      %dma_wait3A = arith.constant 0 : i32
      %dma_wait3A_18 = tpu.memref_slice %arg5[%add3A, %dma_wait3A] : memref<32x32xf32, #tpu.memory_space<hbm>> -> memref<1x32xf32, #tpu.memory_space<hbm>>
      %dma_wait3A_19 = tpu.memref_squeeze %dma_wait3A_18 : memref<1x32xf32, #tpu.memory_space<hbm>> -> memref<32xf32, #tpu.memory_space<hbm>>
      %dma_wait3A_20 = arith.constant 0 : i32
      %dma_wait3A_21 = tpu.memref_slice %arg5[%add3A, %dma_wait3A_20] : memref<32x32xf32, #tpu.memory_space<hbm>> -> memref<1x32xf32, #tpu.memory_space<hbm>>
      %dma_wait3A_22 = tpu.memref_squeeze %dma_wait3A_21 : memref<1x32xf32, #tpu.memory_space<hbm>> -> memref<32xf32, #tpu.memory_space<hbm>>
      tpu.wait_dma2 semaphore(%run_scoped3A : memref<!tpu.dma_semaphore, #tpu.memory_space<semaphore_mem>>) src(%arg8 : memref<32xf32, #tpu.memory_space<vmem>>) dst(%dma_wait3A_22 : memref<32xf32, #tpu.memory_space<hbm>>)
      tpu.yield
    }) : () -> ()
    return
  }
}

module attributes {stable_mosaic.version = 14 : i64} {
  func.func @tc_kernel(%arg0: memref<1x832xf32, #tpu.memory_space<vmem>>, %arg1: memref<26x32xf32, #tpu.memory_space<vmem>>, %arg2: memref<1x26xf32, #tpu.memory_space<vmem>>, %arg3: memref<1x1xf32, #tpu.memory_space<vmem>>, %arg4: memref<832x512xf32, #tpu.memory_space<vmem>>, %arg5: memref<1x512xf32, #tpu.memory_space<vmem>>, %arg6: memref<1x512xf32, #tpu.memory_space<vmem>>, %arg7: memref<512x256xf32, #tpu.memory_space<vmem>>, %arg8: memref<1x256xf32, #tpu.memory_space<vmem>>, %arg9: memref<1x256xf32, #tpu.memory_space<vmem>>, %arg10: memref<1x256xf32, #tpu.memory_space<vmem>>, %arg11: memref<1x1xf32, #tpu.memory_space<vmem>>, %arg12: memref<1x16384xf32, #tpu.memory_space<vmem>>) attributes {dimension_semantics = [], scalar_prefetch = 0 : i64, scratch_operands = 0 : i64, tpu.core_type = #tpu.core_type<tc>} {
    %get3A = arith.constant 0 : index
    %get3A_0 = arith.constant 0 : index
    %get3A_1 = vector.load %arg0[%get3A, %get3A_0] : memref<1x832xf32, #tpu.memory_space<vmem>>, vector<1x832xf32>
    %get3A_2 = arith.constant 0 : index
    %get3A_3 = arith.constant 0 : index
    %get3A_4 = vector.load %arg1[%get3A_2, %get3A_3] : memref<26x32xf32, #tpu.memory_space<vmem>>, vector<26x32xf32>
    %get3A_5 = arith.constant 0 : index
    %get3A_6 = arith.constant 0 : index
    %get3A_7 = vector.load %arg2[%get3A_5, %get3A_6] : memref<1x26xf32, #tpu.memory_space<vmem>>, vector<1x26xf32>
    %reduce_sum3A = vector.shape_cast %get3A_7 : vector<1x26xf32> to vector<1x1x26xf32>
    %reduce_sum3A_8 = arith.constant dense<0.000000e+00> : vector<1xf32>
    %reduce_sum3A_9 = vector.multi_reduction <add>, %reduce_sum3A, %reduce_sum3A_8 [1, 2] : vector<1x1x26xf32> to vector<1xf32>
    %reduce_sum3A_10 = vector.shape_cast %reduce_sum3A_9 : vector<1xf32> to vector<1x1x1xf32>
    %reduce_sum3A_11 = vector.extract %reduce_sum3A_10[0, 0, 0] : f32 from vector<1x1x1xf32>
    %reshape3A = vector.broadcast %reduce_sum3A_11 : f32 to vector<1x1xf32>
    %reduce_sum3A_12 = arith.constant dense<0.000000e+00> : vector<32xf32>
    %reduce_sum3A_13 = vector.multi_reduction <add>, %get3A_4, %reduce_sum3A_12 [0] : vector<26x32xf32> to vector<32xf32>
    %broadcast_in_dim3A = vector.shape_cast %reduce_sum3A_13 : vector<32xf32> to vector<1x32xf32>
    %mul3A = arith.mulf %broadcast_in_dim3A, %broadcast_in_dim3A : vector<1x32xf32>
    %reduce_sum3A_14 = vector.shape_cast %mul3A : vector<1x32xf32> to vector<1x1x32xf32>
    %reduce_sum3A_15 = arith.constant dense<0.000000e+00> : vector<1xf32>
    %reduce_sum3A_16 = vector.multi_reduction <add>, %reduce_sum3A_14, %reduce_sum3A_15 [1, 2] : vector<1x1x32xf32> to vector<1xf32>
    %reduce_sum3A_17 = vector.shape_cast %reduce_sum3A_16 : vector<1xf32> to vector<1x1x1xf32>
    %reduce_sum3A_18 = vector.extract %reduce_sum3A_17[0, 0, 0] : f32 from vector<1x1x1xf32>
    %reshape3A_19 = vector.broadcast %reduce_sum3A_18 : f32 to vector<1x1xf32>
    %mul3A_20 = arith.mulf %get3A_4, %get3A_4 : vector<26x32xf32>
    %reduce_sum3A_21 = vector.shape_cast %mul3A_20 : vector<26x32xf32> to vector<1x26x32xf32>
    %reduce_sum3A_22 = arith.constant dense<0.000000e+00> : vector<1xf32>
    %reduce_sum3A_23 = vector.multi_reduction <add>, %reduce_sum3A_21, %reduce_sum3A_22 [1, 2] : vector<1x26x32xf32> to vector<1xf32>
    %reduce_sum3A_24 = vector.shape_cast %reduce_sum3A_23 : vector<1xf32> to vector<1x1x1xf32>
    %reduce_sum3A_25 = vector.extract %reduce_sum3A_24[0, 0, 0] : f32 from vector<1x1x1xf32>
    %reshape3A_26 = vector.broadcast %reduce_sum3A_25 : f32 to vector<1x1xf32>
    %sub3A = arith.subf %reshape3A_19, %reshape3A_26 : vector<1x1xf32>
    %mul3A_27 = arith.constant 5.000000e-01 : f32
    %mul3A_28 = vector.broadcast %mul3A_27 : f32 to vector<1x1xf32>
    %mul3A_29 = arith.mulf %mul3A_28, %sub3A : vector<1x1xf32>
    %get3A_30 = arith.constant 0 : index
    %get3A_31 = arith.constant 0 : index
    %get3A_32 = vector.load %arg4[%get3A_30, %get3A_31] : memref<832x512xf32, #tpu.memory_space<vmem>>, vector<832x512xf32>
    %dot_general3A = arith.constant dense<0.000000e+00> : vector<1x512xf32>
    %dot_general3A_33 = tpu.matmul %get3A_1, %get3A_32, %dot_general3A {dimension_numbers = #tpu.dot_dimension_numbers<[1], [0], [0], [1], [0, 0, 1, 1], [], []>, transpose_lhs_hint = false} : vector<1x832xf32>, vector<832x512xf32>, vector<1x512xf32> -> vector<1x512xf32>
    %mul3A_34 = arith.mulf %dot_general3A_33, %dot_general3A_33 : vector<1x512xf32>
    %sub3A_35 = arith.constant 1.638400e+04 : f32
    %sub3A_36 = arith.constant 1.000000e+00 : f32
    %sub3A_37 = arith.subf %sub3A_35, %sub3A_36 : f32
    %mul3A_38 = arith.constant 1.638400e+04 : f32
    %mul3A_39 = arith.constant 1.638400e+04 : f32
    %mul3A_40 = arith.mulf %mul3A_38, %mul3A_39 : f32
    %div3A = arith.divf %sub3A_37, %mul3A_40 : f32
    %mul3A_41 = vector.broadcast %div3A : f32 to vector<1x512xf32>
    %mul3A_42 = arith.mulf %mul3A_34, %mul3A_41 : vector<1x512xf32>
    %add3A = arith.constant 9.99999974E-6 : f32
    %add3A_43 = vector.broadcast %add3A : f32 to vector<1x512xf32>
    %add3A_44 = arith.addf %mul3A_42, %add3A_43 : vector<1x512xf32>
    %rsqrt3A = math.rsqrt %add3A_44 : vector<1x512xf32>
    %neg3A = arith.constant 0.000000e+00 : f32
    %neg3A_45 = vector.broadcast %neg3A : f32 to vector<1x512xf32>
    %neg3A_46 = arith.subf %neg3A_45, %dot_general3A_33 : vector<1x512xf32>
    %div3A_47 = arith.constant 1.638400e+04 : f32
    %div3A_48 = vector.broadcast %div3A_47 : f32 to vector<1x512xf32>
    %div3A_49 = arith.divf %neg3A_46, %div3A_48 : vector<1x512xf32>
    %mul3A_50 = arith.mulf %div3A_49, %rsqrt3A : vector<1x512xf32>
    %get3A_51 = arith.constant 0 : index
    %get3A_52 = arith.constant 0 : index
    %get3A_53 = vector.load %arg5[%get3A_51, %get3A_52] : memref<1x512xf32, #tpu.memory_space<vmem>>, vector<1x512xf32>
    %mul3A_54 = arith.mulf %mul3A_50, %get3A_53 : vector<1x512xf32>
    %get3A_55 = arith.constant 0 : index
    %get3A_56 = arith.constant 0 : index
    %get3A_57 = vector.load %arg6[%get3A_55, %get3A_56] : memref<1x512xf32, #tpu.memory_space<vmem>>, vector<1x512xf32>
    %add3A_58 = arith.addf %mul3A_54, %get3A_57 : vector<1x512xf32>
    %max3A = arith.constant 0.000000e+00 : f32
    %max3A_59 = vector.broadcast %max3A : f32 to vector<1x512xf32>
    %max3A_60 = arith.maximumf %add3A_58, %max3A_59 : vector<1x512xf32>
    %sub3A_61 = arith.constant 1.638400e+04 : f32
    %sub3A_62 = arith.constant 1.000000e+00 : f32
    %sub3A_63 = arith.subf %sub3A_61, %sub3A_62 : f32
    %div3A_64 = arith.constant 1.638400e+04 : f32
    %div3A_65 = arith.divf %sub3A_63, %div3A_64 : f32
    %mul3A_66 = vector.broadcast %div3A_65 : f32 to vector<1x512xf32>
    %mul3A_67 = arith.mulf %dot_general3A_33, %mul3A_66 : vector<1x512xf32>
    %mul3A_68 = arith.mulf %mul3A_67, %rsqrt3A : vector<1x512xf32>
    %get3A_69 = arith.constant 0 : index
    %get3A_70 = arith.constant 0 : index
    %get3A_71 = vector.load %arg5[%get3A_69, %get3A_70] : memref<1x512xf32, #tpu.memory_space<vmem>>, vector<1x512xf32>
    %mul3A_72 = arith.mulf %mul3A_68, %get3A_71 : vector<1x512xf32>
    %get3A_73 = arith.constant 0 : index
    %get3A_74 = arith.constant 0 : index
    %get3A_75 = vector.load %arg6[%get3A_73, %get3A_74] : memref<1x512xf32, #tpu.memory_space<vmem>>, vector<1x512xf32>
    %add3A_76 = arith.addf %mul3A_72, %get3A_75 : vector<1x512xf32>
    %max3A_77 = arith.constant 0.000000e+00 : f32
    %max3A_78 = vector.broadcast %max3A_77 : f32 to vector<1x512xf32>
    %max3A_79 = arith.maximumf %add3A_76, %max3A_78 : vector<1x512xf32>
    %concatenate3A = tpu.concatenate %max3A_60, %max3A_79 in 0 : vector<1x512xf32>, vector<1x512xf32> -> vector<2x512xf32>
    %get3A_80 = arith.constant 0 : index
    %get3A_81 = arith.constant 0 : index
    %get3A_82 = vector.load %arg7[%get3A_80, %get3A_81] : memref<512x256xf32, #tpu.memory_space<vmem>>, vector<512x256xf32>
    %dot_general3A_83 = arith.constant dense<0.000000e+00> : vector<2x256xf32>
    %dot_general3A_84 = tpu.matmul %concatenate3A, %get3A_82, %dot_general3A_83 {dimension_numbers = #tpu.dot_dimension_numbers<[1], [0], [0], [1], [0, 0, 1, 1], [], []>, transpose_lhs_hint = false} : vector<2x512xf32>, vector<512x256xf32>, vector<2x256xf32> -> vector<2x256xf32>
    %slice3A = vector.extract_strided_slice %dot_general3A_84 {offsets = [1, 0], sizes = [1, 256], strides = [1, 1]} : vector<2x256xf32> to vector<1x256xf32>
    %slice3A_85 = vector.extract_strided_slice %dot_general3A_84 {offsets = [0, 0], sizes = [1, 256], strides = [1, 1]} : vector<2x256xf32> to vector<1x256xf32>
    %sub3A_86 = arith.subf %slice3A, %slice3A_85 : vector<1x256xf32>
    %mul3A_87 = arith.mulf %sub3A_86, %sub3A_86 : vector<1x256xf32>
    %sub3A_88 = arith.constant 1.638400e+04 : f32
    %sub3A_89 = arith.constant 1.000000e+00 : f32
    %sub3A_90 = arith.subf %sub3A_88, %sub3A_89 : f32
    %mul3A_91 = arith.constant 1.638400e+04 : f32
    %mul3A_92 = arith.constant 1.638400e+04 : f32
    %mul3A_93 = arith.mulf %mul3A_91, %mul3A_92 : f32
    %div3A_94 = arith.divf %sub3A_90, %mul3A_93 : f32
    %mul3A_95 = vector.broadcast %div3A_94 : f32 to vector<1x256xf32>
    %mul3A_96 = arith.mulf %mul3A_87, %mul3A_95 : vector<1x256xf32>
    %add3A_97 = arith.constant 9.99999974E-6 : f32
    %add3A_98 = vector.broadcast %add3A_97 : f32 to vector<1x256xf32>
    %add3A_99 = arith.addf %mul3A_96, %add3A_98 : vector<1x256xf32>
    %rsqrt3A_100 = math.rsqrt %add3A_99 : vector<1x256xf32>
    %neg3A_101 = arith.constant 0.000000e+00 : f32
    %neg3A_102 = vector.broadcast %neg3A_101 : f32 to vector<1x256xf32>
    %neg3A_103 = arith.subf %neg3A_102, %sub3A_86 : vector<1x256xf32>
    %div3A_104 = arith.constant 1.638400e+04 : f32
    %div3A_105 = vector.broadcast %div3A_104 : f32 to vector<1x256xf32>
    %div3A_106 = arith.divf %neg3A_103, %div3A_105 : vector<1x256xf32>
    %mul3A_107 = arith.mulf %div3A_106, %rsqrt3A_100 : vector<1x256xf32>
    %get3A_108 = arith.constant 0 : index
    %get3A_109 = arith.constant 0 : index
    %get3A_110 = vector.load %arg8[%get3A_108, %get3A_109] : memref<1x256xf32, #tpu.memory_space<vmem>>, vector<1x256xf32>
    %mul3A_111 = arith.mulf %mul3A_107, %get3A_110 : vector<1x256xf32>
    %get3A_112 = arith.constant 0 : index
    %get3A_113 = arith.constant 0 : index
    %get3A_114 = vector.load %arg9[%get3A_112, %get3A_113] : memref<1x256xf32, #tpu.memory_space<vmem>>, vector<1x256xf32>
    %add3A_115 = arith.addf %mul3A_111, %get3A_114 : vector<1x256xf32>
    %max3A_116 = arith.constant 0.000000e+00 : f32
    %max3A_117 = vector.broadcast %max3A_116 : f32 to vector<1x256xf32>
    %max3A_118 = arith.maximumf %add3A_115, %max3A_117 : vector<1x256xf32>
    %sub3A_119 = arith.constant 1.638400e+04 : f32
    %sub3A_120 = arith.constant 1.000000e+00 : f32
    %sub3A_121 = arith.subf %sub3A_119, %sub3A_120 : f32
    %div3A_122 = arith.constant 1.638400e+04 : f32
    %div3A_123 = arith.divf %sub3A_121, %div3A_122 : f32
    %mul3A_124 = vector.broadcast %div3A_123 : f32 to vector<1x256xf32>
    %mul3A_125 = arith.mulf %sub3A_86, %mul3A_124 : vector<1x256xf32>
    %mul3A_126 = arith.mulf %mul3A_125, %rsqrt3A_100 : vector<1x256xf32>
    %get3A_127 = arith.constant 0 : index
    %get3A_128 = arith.constant 0 : index
    %get3A_129 = vector.load %arg8[%get3A_127, %get3A_128] : memref<1x256xf32, #tpu.memory_space<vmem>>, vector<1x256xf32>
    %mul3A_130 = arith.mulf %mul3A_126, %get3A_129 : vector<1x256xf32>
    %get3A_131 = arith.constant 0 : index
    %get3A_132 = arith.constant 0 : index
    %get3A_133 = vector.load %arg9[%get3A_131, %get3A_132] : memref<1x256xf32, #tpu.memory_space<vmem>>, vector<1x256xf32>
    %add3A_134 = arith.addf %mul3A_130, %get3A_133 : vector<1x256xf32>
    %max3A_135 = arith.constant 0.000000e+00 : f32
    %max3A_136 = vector.broadcast %max3A_135 : f32 to vector<1x256xf32>
    %max3A_137 = arith.maximumf %add3A_134, %max3A_136 : vector<1x256xf32>
    %concatenate3A_138 = tpu.concatenate %max3A_118, %max3A_137 in 0 : vector<1x256xf32>, vector<1x256xf32> -> vector<2x256xf32>
    %get3A_139 = arith.constant 0 : index
    %get3A_140 = arith.constant 0 : index
    %get3A_141 = vector.load %arg10[%get3A_139, %get3A_140] : memref<1x256xf32, #tpu.memory_space<vmem>>, vector<1x256xf32>
    %mul3A_142 = vector.broadcast %get3A_141 : vector<1x256xf32> to vector<2x256xf32>
    %mul3A_143 = arith.mulf %concatenate3A_138, %mul3A_142 : vector<2x256xf32>
    %reduce_sum3A_144 = arith.constant dense<0.000000e+00> : vector<2xf32>
    %reduce_sum3A_145 = vector.multi_reduction <add>, %mul3A_143, %reduce_sum3A_144 [1] : vector<2x256xf32> to vector<2xf32>
    %broadcast_in_dim3A_146 = vector.shape_cast %reduce_sum3A_145 : vector<2xf32> to vector<2x1xf32>
    %get3A_147 = arith.constant 0 : index
    %get3A_148 = arith.constant 0 : index
    %get3A_149 = vector.load %arg11[%get3A_147, %get3A_148] : memref<1x1xf32, #tpu.memory_space<vmem>>, vector<1x1xf32>
    %add3A_150 = vector.broadcast %get3A_149 : vector<1x1xf32> to vector<2x1xf32>
    %add3A_151 = arith.addf %broadcast_in_dim3A_146, %add3A_150 : vector<2x1xf32>
    %get3A_152 = arith.constant 0 : index
    %get3A_153 = arith.constant 0 : index
    %get3A_154 = vector.load %arg3[%get3A_152, %get3A_153] : memref<1x1xf32, #tpu.memory_space<vmem>>, vector<1x1xf32>
    %slice3A_155 = vector.extract_strided_slice %add3A_151 {offsets = [0, 0], sizes = [1, 1], strides = [1, 1]} : vector<2x1xf32> to vector<1x1xf32>
    %add3A_156 = arith.addf %get3A_154, %slice3A_155 : vector<1x1xf32>
    %get3A_157 = arith.constant 0 : index
    %get3A_158 = arith.constant 0 : index
    %get3A_159 = vector.load %arg3[%get3A_157, %get3A_158] : memref<1x1xf32, #tpu.memory_space<vmem>>, vector<1x1xf32>
    %add3A_160 = arith.addf %get3A_159, %reshape3A : vector<1x1xf32>
    %add3A_161 = arith.addf %add3A_160, %mul3A_29 : vector<1x1xf32>
    %slice3A_162 = vector.extract_strided_slice %add3A_151 {offsets = [1, 0], sizes = [1, 1], strides = [1, 1]} : vector<2x1xf32> to vector<1x1xf32>
    %add3A_163 = arith.addf %add3A_161, %slice3A_162 : vector<1x1xf32>
    %neg3A_164 = arith.constant 0.000000e+00 : f32
    %neg3A_165 = vector.broadcast %neg3A_164 : f32 to vector<1x1xf32>
    %neg3A_166 = arith.subf %neg3A_165, %add3A_156 : vector<1x1xf32>
    %exp3A = math.exp %neg3A_166 : vector<1x1xf32>
    %add3A_167 = arith.constant 1.000000e+00 : f32
    %add3A_168 = vector.broadcast %add3A_167 : f32 to vector<1x1xf32>
    %add3A_169 = arith.addf %add3A_168, %exp3A : vector<1x1xf32>
    %div3A_170 = arith.constant 1.000000e+00 : f32
    %div3A_171 = vector.broadcast %div3A_170 : f32 to vector<1x1xf32>
    %div3A_172 = arith.divf %div3A_171, %add3A_169 : vector<1x1xf32>
    %neg3A_173 = arith.constant 0.000000e+00 : f32
    %neg3A_174 = vector.broadcast %neg3A_173 : f32 to vector<1x1xf32>
    %neg3A_175 = arith.subf %neg3A_174, %add3A_163 : vector<1x1xf32>
    %exp3A_176 = math.exp %neg3A_175 : vector<1x1xf32>
    %add3A_177 = arith.constant 1.000000e+00 : f32
    %add3A_178 = vector.broadcast %add3A_177 : f32 to vector<1x1xf32>
    %add3A_179 = arith.addf %add3A_178, %exp3A_176 : vector<1x1xf32>
    %div3A_180 = arith.constant 1.000000e+00 : f32
    %div3A_181 = vector.broadcast %div3A_180 : f32 to vector<1x1xf32>
    %div3A_182 = arith.divf %div3A_181, %add3A_179 : vector<1x1xf32>
    %iota3A = tpu.iota {dimensions = array<i32: 1>} : vector<1x16384xi32>
    %eq3A = arith.constant 16383 : i32
    %eq3A_183 = vector.broadcast %eq3A : i32 to vector<1x16384xi32>
    %eq3A_184 = arith.cmpi eq, %iota3A, %eq3A_183 : vector<1x16384xi32>
    %broadcast_in_dim3A_185 = vector.shape_cast %div3A_182 : vector<1x1xf32> to vector<1x1xf32>
    %broadcast_in_dim3A_186 = vector.broadcast %broadcast_in_dim3A_185 : vector<1x1xf32> to vector<1x16384xf32>
    %broadcast_in_dim3A_187 = vector.shape_cast %div3A_172 : vector<1x1xf32> to vector<1x1xf32>
    %broadcast_in_dim3A_188 = vector.broadcast %broadcast_in_dim3A_187 : vector<1x1xf32> to vector<1x16384xf32>
    %select_n3A = arith.select %eq3A_184, %broadcast_in_dim3A_186, %broadcast_in_dim3A_188 : vector<1x16384xi1>, vector<1x16384xf32>
    %swap3A = arith.constant 0 : index
    %swap3A_189 = arith.constant 0 : index
    %swap3A_190 = vector.load %arg12[%swap3A, %swap3A_189] : memref<1x16384xf32, #tpu.memory_space<vmem>>, vector<1x16384xf32>
    tpu.vector_store %arg12[%swap3A, %swap3A_189], %select_n3A {strides = array<i32>} : memref<1x16384xf32, #tpu.memory_space<vmem>>, vector<1x16384xf32>,
    return
  }
}

</mosaic_0001>

<sc_bundles>
// kernel: kernel.4.cloned.1.call-start
scs
__scs_entry_jumppad:
0x0: {  	(pc) =	sbr.rel $0x88, $3  }
0x1: {  	(tag) =	ssettag $0x0;
	lr =	simm.s32 $0x1  }
0x2: {  	[smem:$0x3F95] =	sst lr;
	_ =	strace $0xD0000000  }
0x3: {  	_ = 	snop  }
0x4: {  	_ = 	snop  }
0x5: {  	_ = 	snop  }
0x6: {  	_ = 	snop  }
0x7: {  	_ = 	snop  }
__scs_overlays_trampoline_lowered:
0x8: {  	[smem:$0x3FA4] =	sst s0  }
0x9: {  	[smem:$0x3FA5] =	sst s1  }
0xa: {  	[smem:$0x3FA6] =	sst s2  }
0xb: {  	[smem:$0x3FA7] =	sst s3  }
0xc: {  	[smem:$0x3FA8] =	sst s4  }
0xd: {  	[smem:$0x3FA9] =	sst s5  }
0xe: {  	[smem:$0x3FAA] =	sst s6  }
0xf: {  	[smem:$0x3FAB] =	sst s7  }
0x10: {  	[smem:$0x3FAC] =	sst s8  }
0x11: {  	[smem:$0x3FAD] =	sst s9;
	s0 =	simm.s32 @!p0 $0x0  }
0x12: {  	s1 =	sld [smem:$0x3F93];
	s0 =	simm.s32 @p0 $0x1  }
0x13: {  	[smem:$0x3FAE] =	sst s0;
	s0 =	simm.s32 @!p1 $0x0  }
0x14: {  	s2 =	sld [smem:$0x3F92];
	s0 =	simm.s32 @p1 $0x1  }
0x15: {  	[smem:$0x3FAF] =	sst s0;
	s0 =	simm.s32 @!p2 $0x0  }
0x16: {  	s3 =	sld [smem:$0x3FDB];
	s0 =	simm.s32 @p2 $0x1  }
0x17: {  	s4 =	simm.s32 $0x1BF5;
	[smem:$0x3FB1] =	sst s0  }
0x18: {  	s0 =	sld [smem:$0x3F94];
	_ =	swait.ge [sflag:s4], $0x0  }
0x19: {  	s7 =	sld [smem:$0x3F95]  }
0x1a: {  	s8 =	sadd.s32 $0xFFFFE003, lr  }
0x1b: {  	s9 =	sadd.s32 $0xFFFFFEF7, lr;
	s5 =	simm.s32 $0xFFFFFFFF;
	p2 =	slt.u32 s8, $0xFFFFF086  }
0x1c: {  	p1 =	slt.u32 s9, $0xF7A;
	s5 =	simm.s32 @!p2 $0x0  }
0x1d: {  	s5 =	simm.s32 @p1 $0x1;
	p0 =	seq.s32 s7, s2  }
0x1e: {  	s7 =	smul.u32 @!p0 $0xF7A, s2;
	p2 =	seq.s32 @!p0 s5, $0x0  }
0x1f: {  	s9 =	smul.u32 $0xF7A, s1;
	s8 =	simm.s32 @!p0 $0x1BF5;
	p2 =	por !p2, p0  }
0x20: {  	[sflag:s8] =	ssyncset.s32 @!p0 $0xFFFFF086;
	s6 =	sadd.s32 @!p0 s3, s7;
	s7 =	simm.s32 @!p0 $0x108  }
0x21: {  	s3 =	sadd.s32 s3, s9;
	s6 =	sadd.s32 @!p0 $0x88, s6;
	s7 =	simm.s32 @p2 $0x1082  }
0x22: {  	[simem:s7], [sflag:s8] =	dma.local @!p0 [hbm:s6], $0xF7A  }
0x23: {  	s9 =	sor.u32 $0xD0000000, s2;
	s6 =	simm.s32 $0x108;
	_ =	swait.ge @!p0 [sflag:s8], $0x0  }
0x24: {  	s3 =	sadd.s32 $0x88, s3;
	s6 =	simm.s32 @!p1 $0x1082;
	[sflag:s4] =	ssyncset.s32 $0xFFFFF086  }
0x25: {  	[simem:s6], [sflag:s4] =	dma.local [hbm:s3], $0xF7A  }
0x26: {  	[smem:$0x3F95] =	sst s1;
	(tag) =	ssettag s2;
	_ =	strace s9  }
0x27: {  	s1 =	sld [smem:$0x3FA5]  }
0x28: {  	s2 =	sld [smem:$0x3FA6]  }
0x29: {  	s4 =	sld [smem:$0x3FA8]  }
0x2a: {  	p0 =	seq.s32 s5, $0x0;
	s5 =	sld [smem:$0x3FA9]  }
0x2b: {  	s6 =	sld [smem:$0x3FAA]  }
0x2c: {  	s7 =	sld [smem:$0x3FAB]  }
0x2d: {  	s3 =	simm.s32 $0x108;
	s8 =	sld [smem:$0x3FAC]  }
0x2e: {  	s3 =	simm.s32 @!p0 $0x1082;
	s9 =	sld [smem:$0x3FAD]  }
0x2f: {  	lr =	sadd.s32 s0, s3;
	s0 =	sld [smem:$0x3FA4]  }
0x30: {  	s3 =	sld [smem:$0x3FA7]  }
0x31: {  	[smem:$0x3FB0] =	sst s10  }
0x32: {  	s10 =	sld [smem:$0x3FAE];
	_ =	sdelay $0x3  }
0x33: {  	p0 =	seq.s32 s10, $0x1;
	s10 =	sld [smem:$0x3FB0];
	_ =	sdelay $0x3  }
0x34: {  	[smem:$0x3FB0] =	sst s10  }
0x35: {  	s10 =	sld [smem:$0x3FAF];
	_ =	sdelay $0x3  }
0x36: {  	p1 =	seq.s32 s10, $0x1;
	s10 =	sld [smem:$0x3FB0];
	_ =	sdelay $0x3  }
0x37: {  	[smem:$0x3FB0] =	sst s10  }
0x38: {  	s10 =	sld [smem:$0x3FB1]  }
0x39: {  	_ = 	snop;
	(pc) =	sbr.ind lr, $3  }
0x3a: {  	_ = 	snop  }
0x3b: {  	_ = 	snop  }
0x3c: {  	p2 =	seq.s32 s10, $0x1;
	s10 =	sld [smem:$0x3FB0]  }
0x3d: {  	_ =	shalt  }
0x3e: {  	_ =	shalt  }
0x3f: {  	_ =	shalt  }
0x40: {  	_ =	shalt  }
0x41: {  	_ =	shalt  }
0x42: {  	_ =	shalt  }
0x43: {  	_ =	shalt  }
0x44: {  	_ =	shalt  }
0x45: {  	_ =	shalt  }
0x46: {  	_ =	shalt  }
0x47: {  	_ =	shalt  }
0x48: {  	_ =	shalt  }
0x49: {  	_ =	shalt  }
0x4a: {  	_ =	shalt  }
0x4b: {  	_ =	shalt  }
0x4c: {  	_ =	shalt  }
0x4d: {  	_ =	shalt  }
0x4e: {  	_ =	shalt  }
0x4f: {  	_ =	shalt  }
0x50: {  	_ =	shalt  }
0x51: {  	_ =	shalt  }
0x52: {  	_ =	shalt  }
0x53: {  	_ =	shalt  }
0x54: {  	_ =	shalt  }
0x55: {  	_ =	shalt  }
0x56: {  	_ =	shalt  }
0x57: {  	_ =	shalt  }
0x58: {  	_ =	shalt  }
0x59: {  	_ =	shalt  }
0x5a: {  	_ =	shalt  }
0x5b: {  	_ =	shalt  }
0x5c: {  	_ =	shalt  }
0x5d: {  	_ =	shalt  }
0x5e: {  	_ =	shalt  }
0x5f: {  	_ =	shalt  }
0x60: {  	_ =	shalt  }
0x61: {  	_ =	shalt  }
0x62: {  	_ =	shalt  }
0x63: {  	_ =	shalt  }
0x64: {  	_ =	shalt  }
0x65: {  	_ =	shalt  }
0x66: {  	_ =	shalt  }
0x67: {  	_ =	shalt  }
0x68: {  	_ =	shalt  }
0x69: {  	_ =	shalt  }
0x6a: {  	_ =	shalt  }
0x6b: {  	_ =	shalt  }
0x6c: {  	_ =	shalt  }
0x6d: {  	_ =	shalt  }
0x6e: {  	_ =	shalt  }
0x6f: {  	_ =	shalt  }
0x70: {  	_ =	shalt  }
0x71: {  	_ =	shalt  }
0x72: {  	_ =	shalt  }
0x73: {  	_ =	shalt  }
0x74: {  	_ =	shalt  }
0x75: {  	_ =	shalt  }
0x76: {  	_ =	shalt  }
0x77: {  	_ =	shalt  }
0x78: {  	_ =	shalt  }
0x79: {  	_ =	shalt  }
0x7a: {  	_ =	shalt  }
0x7b: {  	_ =	shalt  }
0x7c: {  	_ =	shalt  }
0x7d: {  	_ =	shalt  }
0x7e: {  	_ =	shalt  }
0x7f: {  	_ =	shalt  }
0x80: {  	_ =	shalt  }
0x81: {  	_ =	shalt  }
0x82: {  	_ =	shalt  }
0x83: {  	_ =	shalt  }
0x84: {  	_ =	shalt  }
0x85: {  	_ =	shalt  }
0x86: {  	_ =	shalt  }
0x87: {  	_ =	shalt  }
.Lfunc_end0:
.L_simem_size_0:
called_computation_lowered:
.L_overlay_start_0:
0x88: {  	s2 =	sld [smem:$0x3FD9]  }
0x89: {  	s3 =	sld [smem:$0x3FFE];
	_ =	sdelay $0x1  }
0x8a: {  	s1 =	srdreg.scid  }
0x8b: {  	s0 =	sand.u32 $0x1, s1  }
0x8c: {  	s18 =	sshll.u32 s0, $0xA;
	s2 =	sadd.s32 s3, s2  }
0x8d: {  	s2 =	sadd.s32 s2, s18  }
0x8e: {  	[smem:$0x3FBC] =	sst s2  }
0x8f: {  	_ = 	snop  }
0x90: {  	s2 =	sld [smem:$0x3FC9]  }
0x91: {  	s19 =	sld [smem:$0x3FC8]  }
0x92: {  	s4 =	sld [smem:$0x3FC7]  }
0x93: {  	s5 =	sld [smem:$0x3FD0];
	(tm) =	ssettm $0x1  }
0x94: {  	s6 =	sld [smem:$0x3FFB];
	_ =	sdelay $0x3  }
0x95: {  	_ =	strace s6  }
0x96: {  	s6 =	sld [smem:$0x3FFC];
	_ =	sdelay $0x3  }
0x97: {  	_ =	strace s6  }
0x98: {  	s6 =	sld [smem:$0x3FFD];
	_ =	sdelay $0x3  }
0x99: {  	_ =	strace s6  }
0x9a: {  	_ =	strace $0x8FFFFFFF  }
0x9b: {  	s20 =	sld [smem:$0x3FDB];
	_ =	sdelay $0x1  }
0x9c: {  	s7 =	simm.s32 $_scs_section_size  }
0x9d: {  	s8 =	simm.s32 $_size__tile_overlayer_lowered;
	s9 =	simm.s32 $_tile_overlayer_lowered  }
0x9e: {  	s23 =	simm.s32 $0x1BFF;
	s22 =	sshll.u32 s9, $0x1;
	s6 =	sadd.s32 s7, s20  }
0x9f: {  	s10 =	simm.s32 $0x0;
	s21 =	sshll.u32 s8, $0x1;
	s8 =	sadd.s32 s22, s6  }
0xa0: {  	[timem:s10], [sflag:s23] =	dma.local [hbm:s8], s21  }
0xa1: {  	_ =	swait.ge [sflag:s23], s21  }
0xa2: {  	s7 =	ssub.s32 $0x0, s21;
	[sflag:s23] =	ssyncset.done $0x0  }
0xa3: {  	[sflag:s23] =	ssyncadd.s32 s7;
	_ =	sdelay $0x1  }
0xa4: {  	s24 =	simm.s32 $0x1B8B  }
0xa5: {  	_ =	swait.ge [sflag:s24], $0x1  }
0xa6: {  	[sflag:s24] =	ssyncset.done $0x0  }
0xa7: {  	s25 =	simm.s32 $0x1B8E;
	[sflag:s24] =	ssyncadd.s32 $0xFFFFFFFF  }
0xa8: {  	s26 =	simm.s32 $execute0_lowered;
	[smem:$0x3FD2] =	sst s25  }
0xa9: {  	s7 =	sshll.u32 s26, $0x1;
	_ =	strace $0x80000046;
	[dreg:$0x1] =	wrdreg $0xFFFFFFFF  }
0xaa: {  	s28 =	simm.s32 $_size_execute0_lowered;
	s6 =	sadd.s32 s6, s7;
	[dreg:$0x0] =	wrdreg $0x0  }
0xab: {  	s7 =	sshll.u32 s28, $0x1;
	[dreg:$0x2] =	wrdreg s6  }
0xac: {  	[dreg:$0x3] =	wrdreg s7  }
0xad: {  	[dreg:$0x4] =	wrdreg $0xC0  }
0xae: {  	_ =	task [dreg:s10], $0x5FFFF  }
0xaf: {  	[dreg:$0x1] =	wrdreg $0xFFFFFFFF  }
0xb0: {  	[dreg:$0x0] =	wrdreg $0x60  }
0xb1: {  	[dreg:$0x2] =	wrdreg s19  }
0xb2: {  	[dreg:$0x3] =	wrdreg s4  }
0xb3: {  	[dreg:$0x4] =	wrdreg s2  }
0xb4: {  	[dreg:$0x5] =	wrdreg s5  }
0xb5: {  	[dreg:$0x6] =	wrdreg $0x9  }
0xb6: {  	_ =	task.clear_ibuf [dreg:s10], $0x7FFFF;
	_ =	strace $0x90000046  }
0xb7: {  	s29 =	simm.s32 $0x9;
	_ =	strace $0x80000048  }
0xb8: {  	_ =	swait.ge [sflag:s29], $0x1  }
0xb9: {  	[sflag:s29] =	ssyncadd.s32 $0xFFFFFFFF  }
0xba: {  	_ =	strace $0x90000048  }
0xbb: {  	_ =	sfence  }
0xbc: {  	s30 =	sld [smem:$0x0];
	_ =	sdelay $0x2  }
0xbd: {  	s31 =	sshll.u32 s1, $0xD;
	s1 =	sshrl.u32 s1, $0x2  }
0xbe: {  	s3 =	sand.u32 $0x4000, s31;
	s1 =	sadd.s32 s1, s30  }
0xbf: {  	s0 =	sor.u32 s3, s0;
	s1 =	sshll.u32 s1, $0x11  }
0xc0: {  	s0 =	sor.u32 s1, s0  }
0xc1: {  	s0 =	sadd.s32 $0x8F2B, s0  }
0xc2: {  	[sflag:s0] =	ssyncadd.remote.s32 $0x1  }
0xc3: {  	_ =	sfence.sel $0xFFFF  }
0xc4: {  	[dreg:$0x0] =	wrdreg $0xFFFFFFFF;
	(pc) =	sbr.abs _section_cstart, $3  }
0xc5: {  	[dreg:$0x1] =	wrdreg $0xFFFFFFFF  }
0xc6: {  	_ =	task.clear_ibuf [dreg:s10], $0x2FFFF;
	_ =	strace $0x9FFFFFFF  }
0xc7: {  	(tm) =	ssettm $0x7FFFFFFF  }
tec
execute0_lowered:
.L_overlay_start_1:
0x0: {  	(tag) =	ssettag $0x1  }
0x1: {  	s1 =	rddreg [dreg:$0x0]  }
0x2: {  	s2 =	rddreg [dreg:$0x1]  }
0x3: {  	s3 =	rddreg [dreg:$0x2]  }
0x4: {  	s7 =	rddreg [dreg:$0x3]  }
0x5: {  	s0 =	rddreg [dreg:$0x4];
	s6 =	srdreg.scid;
	s5 =	simm.s32 $0x0  }
0x6: {  	s4 =	stileid.u32;
	s11 =	simm.s32 $0x1C700;
	s12 =	simm.s32 $0x0  }
.Ltmp0:
0x7: {  	s6 =	sand.u32 $0x1, s6;
	s9 =	sshll.u32 s4, $0x1;
	(pc) =	sbr.rel .LBB2_1-.Ltmp0, $4  }
0x8: {  	[smem:$0x7FF] =	sst s5;
	s8 =	ssub.s32 $0x2, s6;
	s9 =	sor.u32 s6, s9  }
0x9: {  	s10 =	sshrl.u32 s8, $0x1;
	s6 =	smul.u32 $0x1B, s9;
	s9 =	sshll.u32 s9, $0x4  }
0xa: {  	_ =	strace $0x80000047;
	s8 =	ssub.s32 s8, s10;
	s7 =	sadd.s32 s7, s9  }
0xb: {  	v0 =	vimm.f32 $0.0e+00;
	s9 =	simm.s32 $0x1;
	s10 =	simm.s32 $0x4000;
	s8 =	smax.u32 s8, $0x1  }
.LBB2_7:
0xc: {  	s12 =	sadd.s32 $0x1, s12  }
0xd: {  	p0 =	sne.s32 s12, s8  }
.Ltmp1:
0xe: {  	_ = 	snop;
	(pc) =	sbr.rel @!p0 .LBB2_8-.Ltmp1, $4  }
0xf: {  	[hbm4b:s7+s5] =	stream.linear.scatter [tilespmem:s11], [sflag:$0x1], $0x80, $0x38;
	[tilespmem:$0x1C780] =	vst v63  }
0x10: {  	_ =	swait.ge [sflag:s9], $0x80  }
0x11: {  	[sflag:s9] =	ssyncset.done $0x0  }
0x12: {  	[sflag:s9] =	ssyncadd.s32 $0xFFFFFF80  }
.LBB2_1:
.Ltmp2:
0x13: {  	(pc) =	sbr.rel .LBB2_2-.Ltmp2, $3  }
0x14: {  	_ =	sdelay $0x1  }
0x15: {  	[tilespmem:$0x1C700] =	vst v0  }
0x16: {  	[tilespmem:$0x1C710] =	vst v0;
	s15 =	simm.s32 $0xFFFFFFFF;
	s13 =	simm.s32 $0x0  }
.LBB2_6:
0x17: {  	s13 =	sadd.s32 $0x1, s13  }
0x18: {  	p0 =	sne.s32 s13, $0x1B  }
.Ltmp3:
0x19: {  	_ = 	snop;
	(pc) =	sbr.rel @!p0 .LBB2_7-.Ltmp3, $1  }
0x1a: {  	_ =	sdelay $0x3  }
.LBB2_2:
0x1b: {  	s16 =	sadd.s32 s6, s13  }
0x1c: {  	p0 =	sgt.u32 s16, $0x359  }
.Ltmp4:
0x1d: {  	_ = 	snop;
	(pc) =	sbr.rel @p0 .LBB2_6-.Ltmp4, $1  }
0x1e: {  	_ =	sdelay $0x3  }
0x1f: {  	p0 =	slt.u32 s16, $0x35A  }
0x20: {  	s16 =	simm.s32 @!p0 $0x0  }
0x21: {  	s14 =	sand.u32 $0xFFFF, s16  }
0x22: {  	s14 =	smul.u32 $0xF83F, s14;
	_ =	sdelay $0x1  }
0x23: {  	s14 =	sshrl.u32 s14, $0x15  }
0x24: {  	p1 =	seq.s32 s15, s14  }
0x25: {  	s17 =	smul.u32 $0x21, s14;
	s15 =	sshll.u32 @!p1 s14, $0x4  }
0x26: {  	s18 =	sshll.u32 @!p1 s14, $0xB;
	s19 =	simm.s32 @!p1 $0x0;
	s15 =	sand.u32 @!p1 $0x70, s15  }
0x27: {  	s18 =	sand.u32 @!p1 $0xC000, s18;
	s16 =	ssub.s32 s16, s17;
	s15 =	sadd.s32 @!p1 s3, s15  }
0x28: {  	s17 =	simm.s32 @!p1 $0x80;
	s15 =	sadd.s32 @!p1 s18, s15;
	s18 =	simm.s32 @!p1 $0x400  }
0x29: {  	[tilespmem:s19], [sflag:$0x1] =	stream.strided.gather @!p1 [hbm4b:s15+s17], $0x4000, s18, s17, $0x38;
	[tilespmem:$0x1C780] =	vst v63  }
0x2a: {  	s15 =	sand.u32 $0xFFFF, s16  }
0x2b: {  	s16 =	simm.s32 @!p1 $0x1;
	p0 =	sgt.u32 s15, $0x1F  }
0x2c: {  	_ =	swait.ge @!p1 [sflag:s16], $0x4000;
	s17 =	smul.u32 @p0 $0x30E0, s14  }
0x2d: {  	[sflag:s16] =	ssyncset.done @!p1 $0x0;
	s18 =	simm.s32 @p0 $0x4000  }
0x2e: {  	[sflag:s16] =	ssyncadd.s32 @!p1 $0xFFFFC000;
	s16 =	sadd.s32 @p0 s2, s17;
	s17 =	simm.s32 @p0 $0x0  }
0x2f: {  	[tilespmem:s18], [sflag:$0x1] =	stream.linear.gather @p0 [hbm4b:s16+s17], $0x18700, $0x38;
	[tilespmem:$0x1C780] =	vst v63  }
0x30: {  	s16 =	smul.u32 @!p0 $0x30E000, s14;
	s17 =	sshrl.u32 @!p0 s15, $0x3  }
0x31: {  	s17 =	smul.u32 @!p0 $0xC3800, s17  }
0x32: {  	s15 =	sshll.u32 @!p0 s15, $0x7  }
0x33: {  	s15 =	sand.u32 @!p0 $0x380, s15;
	s16 =	sadd.s32 @!p0 s16, s17  }
0x34: {  	s15 =	sor.u32 @!p0 s15, s16  }
0x35: {  	s18 =	simm.s32 @!p0 $0x4000;
	s15 =	sshrl.u32 @!p0 s15, $0x3  }
0x36: {  	s17 =	simm.s32 @!p0 $0x400;
	s16 =	simm.s32 @!p0 $0x80;
	s15 =	sadd.s32 @!p0 s1, s15  }
0x37: {  	[tilespmem:s18], [sflag:$0x1] =	stream.strided.gather @!p0 [hbm4b:s15+s16], $0x18700, s17, s16, $0x38;
	[tilespmem:$0x1C780] =	vst v63  }
0x38: {  	_ =	swait.ge [sflag:s9], $0x18700  }
0x39: {  	[sflag:s9] =	ssyncset.done $0x0  }
0x3a: {  	s30 =	simm.s32 $0x0;
	[sflag:s9] =	ssyncadd.s32 $0xFFFE7900  }
0x3b: {  	v1 =	vld [tilespmem:s30+$0x0]  }
0x3c: {  	v2 =	vld [tilespmem:s30+$0x10];
	_ =	sdelay $0x1  }
0x3d: {  	v3 =	vld [tilespmem:s30+$0x20];
	_ =	sdelay $0x1  }
0x3e: {  	v5 =	vld [tilespmem:s30+$0x30]  }
0x3f: {  	s31 =	simm.s32 $0x40  }
0x40: {  	v6 =	vld [tilespmem:s31+$0x0]  }
0x41: {  	v7 =	vld.idx.msk [tilespmem:v1+s10+$0x0], $0xffff  }
0x42: {  	v8 =	vld.idx.msk [tilespmem:v2+s10+$0x0], $0xffff  }
0x43: {  	v1 =	vld [tilespmem:s31+$0x10]  }
0x44: {  	v4 =	vld.idx.msk [tilespmem:v3+s10+$0x0], $0xffff  }
0x45: {  	v3 =	vimm.f32 $0.0e+00;
	v2 =	vld [tilespmem:s31+$0x20]  }
0x46: {  	v5 =	vld.idx.msk [tilespmem:v5+s10+$0x0], $0xffff;
	v7 =	vadd.f32 v7, v3  }
0x47: {  	v3 =	vld [tilespmem:s31+$0x30]  }
0x48: {  	v7 =	vadd.f32 v8, v7  }
0x49: {  	s15 =	simm.s32 $0x80;
	s16 =	simm.s32 $0x300;
	v6 =	vld.idx.msk [tilespmem:v6+s10+$0x0], $0xffff  }
.LBB2_4:
0x4a: {  	p0 =	sne.s32 s16, $0xFF00;
	v8 =	vld [tilespmem:s15+$0x0];
	v4 =	vadd.f32 v4, v7  }
0x4b: {  	v7 =	vld.idx.msk [tilespmem:v1+s10+$0x0], $0xffff  }
0x4c: {  	v1 =	vld [tilespmem:s15+$0x10];
	v5 =	vadd.f32 v5, v4  }
0x4d: {  	v4 =	vld.idx.msk [tilespmem:v2+s10+$0x0], $0xffff  }
.Ltmp5:
0x4e: {  	v2 =	vld [tilespmem:s15+$0x20];
	(pc) =	sbr.rel @p0 .LBB2_4-.Ltmp5, $4  }
0x4f: {  	v6 =	vadd.f32 v6, v5;
	v5 =	vld.idx.msk [tilespmem:v3+s10+$0x0], $0xffff  }
0x50: {  	v3 =	vld [tilespmem:s15+$0x30]  }
0x51: {  	v7 =	vadd.f32 v7, v6  }
0x52: {  	s15 =	sshra.s32 s16, $0x2;
	s16 =	sadd.s32 $0x100, s16;
	v6 =	vld.idx.msk [tilespmem:v8+s10+$0x0], $0xffff  }
0x53: {  	_ =	sdelay $0x2  }
0x54: {  	v8 =	vld [tilespmem:s15+$0x0]  }
0x55: {  	v4 =	vadd.f32 v4, v7;
	v1 =	vld.idx.msk [tilespmem:v1+s10+$0x0], $0xffff  }
0x56: {  	v59 =	vld [tilespmem:s15+$0x10]  }
0x57: {  	v2 =	vld.idx.msk [tilespmem:v2+s10+$0x0], $0xffff;
	v4 =	vadd.f32 v5, v4  }
0x58: {  	v60 =	vld [tilespmem:s15+$0x20]  }
0x59: {  	v61 =	vld [tilespmem:s15+$0x30];
	v4 =	vadd.f32 v6, v4  }
0x5a: {  	v3 =	vld.idx.msk [tilespmem:v3+s10+$0x0], $0xffff  }
0x5b: {  	v1 =	vadd.f32 v1, v4  }
0x5c: {  	v62 =	vld.idx.msk [tilespmem:v8+s10+$0x0], $0xffff  }
0x5d: {  	v1 =	vadd.f32 v2, v1  }
0x5e: {  	v2 =	vld.idx.msk [tilespmem:v59+s10+$0x0], $0xffff  }
0x5f: {  	v1 =	vadd.f32 v3, v1  }
0x60: {  	v3 =	vld.idx.msk [tilespmem:v60+s10+$0x0], $0xffff  }
0x61: {  	v1 =	vadd.f32 v62, v1  }
0x62: {  	v63 =	vld.idx.msk [tilespmem:v61+s10+$0x0], $0xffff  }
0x63: {  	v1 =	vadd.f32 v2, v1;
	_ =	sdelay $0x1  }
0x64: {  	v1 =	vadd.f32 v3, v1;
	_ =	sdelay $0x1  }
0x65: {  	v1 =	vadd.f32 v63, v1;
	_ =	sdelay $0x1  }
0x66: {  	(xrf2) =	vadd.scan.msk.f32 $0xffff, v1;
	_ =	sdelay $0x7  }
0x67: {  	v1 =	vmov s13  }
.Ltmp6:
0x68: {  	_ = 	snop;
	(pc) =	sbr.rel .LBB2_6-.Ltmp6, $3  }
0x69: {  	v2, _, _ =	vpop (xrf2)  }
0x6a: {  	v2 =	vbroadcast v2, $0xF;
	_ =	sdelay $0x1  }
0x6b: {  	s15 =	smov.u32 s14;
	[tilespmem:v1+s11+$0x0] =	vst.idx.msk $0x1, v2  }
.LBB2_8:
0x6c: {  	_ =	sfence.sel $0x180000  }
0x6d: {  	[bflag:$0x0] =	sbarrier.arrive $0xFFFF  }
0x6e: {  	p0 =	sne.s32 s4, $0x0;
	_ =	strace $0x90000047  }
0x6f: {  	s0 =	sadd.s32 @!p0 $0x100000, s0;
	[bflag:$0x2] =	sbarrier.arrive $0xFFFF  }
0x70: {  	[sflag:s0] =	ssyncadd.tile.s32 @!p0 $0x1;
	_ =	shalt  }
.Lfunc_end2:
_tile_overlayer_lowered:
.L_overlay_start_2:
0x71: {  	(tag) =	ssettag $0x2  }
0x72: {  	s0 =	rddreg [dreg:$0x0];
	s2 =	stileid.u32  }
0x73: {  	s1 =	rddreg [dreg:$0x1];
	p0 =	sne.s32 s2, $0x0  }
0x74: {  	s3 =	rddreg [dreg:$0x2];
	[bflag:$0x3] =	sbarrier.arrive $0xFFFF;
	s2 =	simm.s32 @!p0 $0x1C01  }
0x75: {  	[timem:s3], [sflag:s2] =	dma.local @!p0 [hbm:s0], s1  }
0x76: {  	s0 =	simm.s32 @!p0 $0x1  }
0x77: {  	_ =	swait.ge @!p0 [sflag:s0], s1  }
0x78: {  	s1 =	ssub.s32 @!p0 $0x0, s1;
	[sflag:s0] =	ssyncset.done @!p0 $0x0  }
0x79: {  	[sflag:s0] =	ssyncadd.s32 @!p0 s1  }
0x7a: {  	[bflag:$0x3] =	sbarrier.arrive $0xFFFF  }
0x7b: {  	_ =	shalt  }

</sc_bundles>
